<compile_context>
chip_gen: v7x
topology: tpu7x:2x2x1
jax: 0.10.2.dev20260603
libtpu: 0.0.44.dev20260713+nightly
codegen_flags: <defaults>
</compile_context>

<pallas_src>
import functools

import jax
import jax.numpy as jnp
from jax import lax
from jax.experimental import pallas as pl
from jax.experimental.pallas import tpu as pltpu
from jax.experimental.pallas import tpu_sc as plsc

NPLANES = 192
PLANE = 16 * 128 * 128
NIN = 8 * 64 * 64
NW = 32
PPW = NPLANES // NW
ROWS = NIN // 128
ZCH = 16384
ZPP = PLANE // ZCH

_mesh = plsc.VectorSubcoreMesh(core_axis_name="c", subcore_axis_name="s")


@functools.partial(
    pl.kernel,
    out_type=jax.ShapeDtypeStruct((NPLANES * PLANE,), jnp.float32),
    mesh=_mesh,
    scratch_types=[
        pltpu.VMEM((ZCH,), jnp.float32),
        pltpu.VMEM((NIN,), jnp.int32),
        pltpu.VMEM((NIN,), jnp.float32),
        pltpu.VMEM((NIN,), jnp.int32),
        pltpu.SemaphoreType.DMA,
        pltpu.SemaphoreType.DMA,
    ],
)
def _unpool_sc(x_hbm, idx_hbm, out_hbm, zbuf, ibuf, vbuf, gbuf, zsem, ssem):
    wid = lax.axis_index("s") * 2 + lax.axis_index("c")
    base0 = wid * PPW * PLANE

    zv = jnp.zeros((16,), jnp.float32)

    def _zinit(i, _):
        zbuf[pl.ds(i * 16, 16)] = zv
        return 0

    lax.fori_loop(0, ZCH // 16, _zinit, 0)

    def _zfire(j, _):
        pltpu.async_copy(zbuf, out_hbm.at[pl.ds(base0 + j * ZCH, ZCH)], zsem)
        return 0

    lax.fori_loop(0, PPW * ZPP, _zfire, 0)

    def _zdrain(j, _):
        pltpu.make_async_copy(
            zbuf, out_hbm.at[pl.ds(base0 + j * ZCH, ZCH)], zsem
        ).wait()
        return 0

    lax.fori_loop(0, PPW * ZPP, _zdrain, 0)

    def _plane(p_i, _):
        p = wid * PPW + p_i
        pltpu.sync_copy(idx_hbm.at[p], ibuf)
        pltpu.sync_copy(x_hbm.at[p], vbuf)
        pbase = p * PLANE

        def _add(r, _):
            for j in range(8):
                sl = pl.ds(r * 128 + j * 16, 16)
                gbuf[sl] = ibuf[sl] + pbase
            return 0

        lax.fori_loop(0, ROWS, _add, 0)

        pltpu.async_copy(vbuf, out_hbm.at[gbuf], ssem).wait()
        return 0

    lax.fori_loop(0, PPW, _plane, 0)


def kernel(x, indices, output_size, stride, padding, out):
    xr = x.reshape(NPLANES, NIN)
    ir = indices.reshape(NPLANES, NIN)
    flat = _unpool_sc(xr, ir)
    return flat.reshape(out.shape)

# --- scband reference (transcript-rebuilt; emitter-appended) ---
"""Pipeline reference for scband-torch-ops-aten-max-unpool3-d-out-module-53987738910807 (READ-ONLY COPY).

The authoritative reference and input builder live on the scoring server;
editing this copy changes nothing except your own understanding.
"""

import jax, jax.numpy as jnp
import numpy as np

N, C, D, H, W = 2, 96, 8, 64, 64
DOUT, HOUT, WOUT = 16, 128, 128


def setup_inputs(seed: int = 0) -> dict:
    key = jax.random.key(seed)
    k1, k2 = jax.random.split(key)
    x = jax.random.normal(k1, (N, C, D, H, W), dtype=jnp.float32)
    indices = jax.random.randint(k2, (N, C, D, H, W), 0, DOUT * HOUT * WOUT, dtype=jnp.int32)
    output_size = jnp.array([DOUT, HOUT, WOUT], dtype=jnp.int32)
    stride = jnp.array([2, 2, 2], dtype=jnp.int32)
    padding = jnp.array([0, 0, 0], dtype=jnp.int32)
    out = jnp.zeros((N, C, DOUT, HOUT, WOUT), dtype=jnp.float32)
    return {"x": x, "indices": indices, "output_size": output_size, "stride": stride, "padding": padding, "out": out}


def reference(x, indices, output_size, stride, padding, out):
    # aten.max_unpool3d: scatter x values into a zero-initialized output volume
    # at flat positions given by `indices` (per (n, c) plane). stride/padding are
    # only shape-validation args in aten and do not affect the computation.
    n, c = x.shape[0], x.shape[1]
    d_out, h_out, w_out = out.shape[2], out.shape[3], out.shape[4]
    plane = d_out * h_out * w_out
    x2 = x.reshape(n * c, -1)
    idx2 = indices.reshape(n * c, -1)
    rows = jnp.arange(n * c)[:, None]
    zero = output_size.sum() * 0 + stride.sum() * 0 + padding.sum() * 0
    base = jnp.where(zero == 0, out, out).astype(x.dtype).reshape(n * c, plane)
    flat = base.at[rows, idx2].set(x2)
    return flat.reshape(n, c, d_out, h_out, w_out)

if __name__ == "__main__":
    import jax
    _d = setup_inputs()
    print(jax.jit(kernel)(*tuple(_d.values())))

</pallas_src>

<mosaic_0001>
#map = affine_map<(d0, d1) -> (0, 0)>
#map1 = affine_map<(d0, d1) -> (0)>
module attributes {stable_mosaic.version = 14 : i64} {
  func.func @_unpool_sc(%arg0: i32, %arg1: i32, %arg2: memref<192x32768xf32, #tpu.memory_space<hbm>>, %arg3: memref<192x32768xi32, #tpu.memory_space<hbm>>, %arg4: memref<50331648xf32, #tpu.memory_space<hbm>>, %arg5: memref<16384xf32, #tpu.memory_space<vmem>>, %arg6: memref<32768xi32, #tpu.memory_space<vmem>>, %arg7: memref<32768xf32, #tpu.memory_space<vmem>>, %arg8: memref<32768xi32, #tpu.memory_space<vmem>>, %arg9: memref<!tpu.dma_semaphore, #tpu.memory_space<semaphore_mem>>, %arg10: memref<!tpu.dma_semaphore, #tpu.memory_space<semaphore_mem>>) attributes {dimension_semantics = [#tpu.dimension_semantics<core_parallel>, #tpu.dimension_semantics<subcore_parallel>], iteration_bounds = array<i64: 2, 16>, scalar_prefetch = 0 : i64, scratch_operands = 6 : i64, tpu.core_type = #tpu.core_type<sc_vector_subcore>, window_params = [{transform_indices = #map}, {transform_indices = #map}, {transform_indices = #map1}]} {
    %mul3A = arith.constant 2 : i32
    %mul3A_0 = arith.muli %arg1, %mul3A : i32
    %add3A = arith.addi %mul3A_0, %arg0 : i32
    %mul3A_1 = arith.constant 6 : i32
    %mul3A_2 = arith.muli %add3A, %mul3A_1 : i32
    %mul3A_3 = arith.constant 262144 : i32
    %mul3A_4 = arith.muli %mul3A_2, %mul3A_3 : i32
    %broadcast_in_dim3A = arith.constant 0.000000e+00 : f32
    %broadcast_in_dim3A_5 = vector.broadcast %broadcast_in_dim3A : f32 to vector<16xf32>
    %scan3A = arith.constant 0 : i32
    %scan3A_6 = arith.constant 0 : i32
    %scan3A_7 = arith.constant 1024 : i32
    %scan3A_8 = arith.addi %scan3A_6, %scan3A_7 : i32
    %scan3A_9 = arith.constant 1 : i32
    %scan3A_10 = scf.for %scan3A_33 = %scan3A_6 to %scan3A_8 step %scan3A_9 iter_args(%scan3A_34 = %scan3A) -> (i32)  : i32 {
      %mul3A_35 = arith.constant 16 : i32
      %mul3A_36 = arith.muli %scan3A_33, %mul3A_35 : i32
      %swap3A = arith.index_cast %mul3A_36 : i32 to index
      %swap3A_37 = tpu.vector_load %arg5[%swap3A] {strides = array<i32>} : memref<16384xf32, #tpu.memory_space<vmem>>, vector<16xf32>,
      %swap3A_38 = vector.shape_cast %swap3A_37 : vector<16xf32> to vector<16xf32>
      %swap3A_39 = vector.shape_cast %broadcast_in_dim3A_5 : vector<16xf32> to vector<16xf32>
      tpu.vector_store %arg5[%swap3A], %swap3A_39 {strides = array<i32>} : memref<16384xf32, #tpu.memory_space<vmem>>, vector<16xf32>,
      %scan3A_40 = arith.constant 0 : i32
      scf.yield %scan3A_40 : i32
    }
    %scan3A_11 = arith.constant 1024 : i32
    %scan3A_12 = arith.constant 0 : i32
    %scan3A_13 = arith.constant 0 : i32
    %scan3A_14 = arith.constant 96 : i32
    %scan3A_15 = arith.addi %scan3A_13, %scan3A_14 : i32
    %scan3A_16 = arith.constant 1 : i32
    %scan3A_17 = scf.for %scan3A_33 = %scan3A_13 to %scan3A_15 step %scan3A_16 iter_args(%scan3A_34 = %scan3A_12) -> (i32)  : i32 {
      %mul3A_35 = arith.constant 16384 : i32
      %mul3A_36 = arith.muli %scan3A_33, %mul3A_35 : i32
      %add3A_37 = arith.addi %mul3A_4, %mul3A_36 : i32
      %dma_start3A = tpu.memref_slice %arg4[%add3A_37] : memref<50331648xf32, #tpu.memory_space<hbm>> -> memref<16384xf32, #tpu.memory_space<hbm>>
      %dma_start3A_38 = tpu.memref_slice %arg4[%add3A_37] : memref<50331648xf32, #tpu.memory_space<hbm>> -> memref<16384xf32, #tpu.memory_space<hbm>>
      tpu.enqueue_dma source(%arg5 : memref<16384xf32, #tpu.memory_space<vmem>>) target(%dma_start3A_38 : memref<16384xf32, #tpu.memory_space<hbm>>) target_semaphore(%arg9 : memref<!tpu.dma_semaphore, #tpu.memory_space<semaphore_mem>>)
      %scan3A_39 = arith.constant 0 : i32
      scf.yield %scan3A_39 : i32
    }
    %scan3A_18 = arith.constant 96 : i32
    %scan3A_19 = arith.constant 0 : i32
    %scan3A_20 = arith.constant 0 : i32
    %scan3A_21 = arith.constant 96 : i32
    %scan3A_22 = arith.addi %scan3A_20, %scan3A_21 : i32
    %scan3A_23 = arith.constant 1 : i32
    %scan3A_24 = scf.for %scan3A_33 = %scan3A_20 to %scan3A_22 step %scan3A_23 iter_args(%scan3A_34 = %scan3A_19) -> (i32)  : i32 {
      %mul3A_35 = arith.constant 16384 : i32
      %mul3A_36 = arith.muli %scan3A_33, %mul3A_35 : i32
      %add3A_37 = arith.addi %mul3A_4, %mul3A_36 : i32
      %dma_wait3A = tpu.memref_slice %arg4[%add3A_37] : memref<50331648xf32, #tpu.memory_space<hbm>> -> memref<16384xf32, #tpu.memory_space<hbm>>
      %dma_wait3A_38 = tpu.memref_slice %arg4[%add3A_37] : memref<50331648xf32, #tpu.memory_space<hbm>> -> memref<16384xf32, #tpu.memory_space<hbm>>
      tpu.wait_dma2 semaphore(%arg9 : memref<!tpu.dma_semaphore, #tpu.memory_space<semaphore_mem>>) src(%arg5 : memref<16384xf32, #tpu.memory_space<vmem>>) dst(%dma_wait3A_38 : memref<16384xf32, #tpu.memory_space<hbm>>)
      %scan3A_39 = arith.constant 0 : i32
      scf.yield %scan3A_39 : i32
    }
    %scan3A_25 = arith.constant 96 : i32
    %scan3A_26 = arith.constant 0 : i32
    %scan3A_27 = arith.constant 0 : i32
    %scan3A_28 = arith.constant 6 : i32
    %scan3A_29 = arith.addi %scan3A_27, %scan3A_28 : i32
    %scan3A_30 = arith.constant 1 : i32
    %scan3A_31 = scf.for %scan3A_33 = %scan3A_27 to %scan3A_29 step %scan3A_30 iter_args(%scan3A_34 = %scan3A_26) -> (i32)  : i32 {
      %mul3A_35 = arith.constant 6 : i32
      %mul3A_36 = arith.muli %add3A, %mul3A_35 : i32
      %add3A_37 = arith.addi %mul3A_36, %scan3A_33 : i32
      "tpu.region"() ({
        %run_scoped3A = tpu.sem_alloc : memref<!tpu.dma_semaphore, #tpu.memory_space<semaphore_mem>>
        %dma_start3A_50 = arith.constant 0 : i32
        %dma_start3A_51 = tpu.memref_slice %arg3[%add3A_37, %dma_start3A_50] : memref<192x32768xi32, #tpu.memory_space<hbm>> -> memref<1x32768xi32, #tpu.memory_space<hbm>>
        %dma_start3A_52 = tpu.memref_squeeze %dma_start3A_51 : memref<1x32768xi32, #tpu.memory_space<hbm>> -> memref<32768xi32, #tpu.memory_space<hbm>>
        %dma_start3A_53 = arith.constant 0 : i32
        %dma_start3A_54 = tpu.memref_slice %arg3[%add3A_37, %dma_start3A_53] : memref<192x32768xi32, #tpu.memory_space<hbm>> -> memref<1x32768xi32, #tpu.memory_space<hbm>>
        %dma_start3A_55 = tpu.memref_squeeze %dma_start3A_54 : memref<1x32768xi32, #tpu.memory_space<hbm>> -> memref<32768xi32, #tpu.memory_space<hbm>>
        tpu.enqueue_dma source(%dma_start3A_55 : memref<32768xi32, #tpu.memory_space<hbm>>) target(%arg6 : memref<32768xi32, #tpu.memory_space<vmem>>) target_semaphore(%run_scoped3A : memref<!tpu.dma_semaphore, #tpu.memory_space<semaphore_mem>>)
        %dma_wait3A_56 = arith.constant 0 : i32
        %dma_wait3A_57 = tpu.memref_slice %arg3[%add3A_37, %dma_wait3A_56] : memref<192x32768xi32, #tpu.memory_space<hbm>> -> memref<1x32768xi32, #tpu.memory_space<hbm>>
        %dma_wait3A_58 = tpu.memref_squeeze %dma_wait3A_57 : memref<1x32768xi32, #tpu.memory_space<hbm>> -> memref<32768xi32, #tpu.memory_space<hbm>>
        %dma_wait3A_59 = arith.constant 0 : i32
        %dma_wait3A_60 = tpu.memref_slice %arg3[%add3A_37, %dma_wait3A_59] : memref<192x32768xi32, #tpu.memory_space<hbm>> -> memref<1x32768xi32, #tpu.memory_space<hbm>>
        %dma_wait3A_61 = tpu.memref_squeeze %dma_wait3A_60 : memref<1x32768xi32, #tpu.memory_space<hbm>> -> memref<32768xi32, #tpu.memory_space<hbm>>
        tpu.wait_dma2 semaphore(%run_scoped3A : memref<!tpu.dma_semaphore, #tpu.memory_space<semaphore_mem>>) src(%dma_wait3A_61 : memref<32768xi32, #tpu.memory_space<hbm>>) dst(%arg6 : memref<32768xi32, #tpu.memory_space<vmem>>)
        tpu.yield
      }) : () -> ()
      "tpu.region"() ({
        %run_scoped3A = tpu.sem_alloc : memref<!tpu.dma_semaphore, #tpu.memory_space<semaphore_mem>>
        %dma_start3A_50 = arith.constant 0 : i32
        %dma_start3A_51 = tpu.memref_slice %arg2[%add3A_37, %dma_start3A_50] : memref<192x32768xf32, #tpu.memory_space<hbm>> -> memref<1x32768xf32, #tpu.memory_space<hbm>>
        %dma_start3A_52 = tpu.memref_squeeze %dma_start3A_51 : memref<1x32768xf32, #tpu.memory_space<hbm>> -> memref<32768xf32, #tpu.memory_space<hbm>>
        %dma_start3A_53 = arith.constant 0 : i32
        %dma_start3A_54 = tpu.memref_slice %arg2[%add3A_37, %dma_start3A_53] : memref<192x32768xf32, #tpu.memory_space<hbm>> -> memref<1x32768xf32, #tpu.memory_space<hbm>>
        %dma_start3A_55 = tpu.memref_squeeze %dma_start3A_54 : memref<1x32768xf32, #tpu.memory_space<hbm>> -> memref<32768xf32, #tpu.memory_space<hbm>>
        tpu.enqueue_dma source(%dma_start3A_55 : memref<32768xf32, #tpu.memory_space<hbm>>) target(%arg7 : memref<32768xf32, #tpu.memory_space<vmem>>) target_semaphore(%run_scoped3A : memref<!tpu.dma_semaphore, #tpu.memory_space<semaphore_mem>>)
        %dma_wait3A_56 = arith.constant 0 : i32
        %dma_wait3A_57 = tpu.memref_slice %arg2[%add3A_37, %dma_wait3A_56] : memref<192x32768xf32, #tpu.memory_space<hbm>> -> memref<1x32768xf32, #tpu.memory_space<hbm>>
        %dma_wait3A_58 = tpu.memref_squeeze %dma_wait3A_57 : memref<1x32768xf32, #tpu.memory_space<hbm>> -> memref<32768xf32, #tpu.memory_space<hbm>>
        %dma_wait3A_59 = arith.constant 0 : i32
        %dma_wait3A_60 = tpu.memref_slice %arg2[%add3A_37, %dma_wait3A_59] : memref<192x32768xf32, #tpu.memory_space<hbm>> -> memref<1x32768xf32, #tpu.memory_space<hbm>>
        %dma_wait3A_61 = tpu.memref_squeeze %dma_wait3A_60 : memref<1x32768xf32, #tpu.memory_space<hbm>> -> memref<32768xf32, #tpu.memory_space<hbm>>
        tpu.wait_dma2 semaphore(%run_scoped3A : memref<!tpu.dma_semaphore, #tpu.memory_space<semaphore_mem>>) src(%dma_wait3A_61 : memref<32768xf32, #tpu.memory_space<hbm>>) dst(%arg7 : memref<32768xf32, #tpu.memory_space<vmem>>)
        tpu.yield
      }) : () -> ()
      %mul3A_38 = arith.constant 262144 : i32
      %mul3A_39 = arith.muli %add3A_37, %mul3A_38 : i32
      %scan3A_40 = arith.constant 0 : i32
      %scan3A_41 = arith.constant 0 : i32
      %scan3A_42 = arith.constant 256 : i32
      %scan3A_43 = arith.addi %scan3A_41, %scan3A_42 : i32
      %scan3A_44 = arith.constant 1 : i32
      %scan3A_45 = scf.for %scan3A_50 = %scan3A_41 to %scan3A_43 step %scan3A_44 iter_args(%scan3A_51 = %scan3A_40) -> (i32)  : i32 {
        %mul3A_52 = arith.constant 128 : i32
        %mul3A_53 = arith.muli %scan3A_50, %mul3A_52 : i32
        %add3A_54 = arith.constant 0 : i32
        %add3A_55 = arith.addi %mul3A_53, %add3A_54 : i32
        %get3A = arith.index_cast %add3A_55 : i32 to index
        %get3A_56 = tpu.vector_load %arg6[%get3A] {strides = array<i32>} : memref<32768xi32, #tpu.memory_space<vmem>>, vector<16xi32>,
        %get3A_57 = vector.shape_cast %get3A_56 : vector<16xi32> to vector<16xi32>
        %add3A_58 = vector.broadcast %mul3A_39 : i32 to vector<16xi32>
        %add3A_59 = arith.addi %get3A_57, %add3A_58 : vector<16xi32>
        %swap3A = arith.index_cast %add3A_55 : i32 to index
        %swap3A_60 = tpu.vector_load %arg8[%swap3A] {strides = array<i32>} : memref<32768xi32, #tpu.memory_space<vmem>>, vector<16xi32>,
        %swap3A_61 = vector.shape_cast %swap3A_60 : vector<16xi32> to vector<16xi32>
        %swap3A_62 = vector.shape_cast %add3A_59 : vector<16xi32> to vector<16xi32>
        tpu.vector_store %arg8[%swap3A], %swap3A_62 {strides = array<i32>} : memref<32768xi32, #tpu.memory_space<vmem>>, vector<16xi32>,
        %mul3A_63 = arith.constant 128 : i32
        %mul3A_64 = arith.muli %scan3A_50, %mul3A_63 : i32
        %add3A_65 = arith.constant 16 : i32
        %add3A_66 = arith.addi %mul3A_64, %add3A_65 : i32
        %get3A_67 = arith.index_cast %add3A_66 : i32 to index
        %get3A_68 = tpu.vector_load %arg6[%get3A_67] {strides = array<i32>} : memref<32768xi32, #tpu.memory_space<vmem>>, vector<16xi32>,
        %get3A_69 = vector.shape_cast %get3A_68 : vector<16xi32> to vector<16xi32>
        %add3A_70 = vector.broadcast %mul3A_39 : i32 to vector<16xi32>
        %add3A_71 = arith.addi %get3A_69, %add3A_70 : vector<16xi32>
        %swap3A_72 = arith.index_cast %add3A_66 : i32 to index
        %swap3A_73 = tpu.vector_load %arg8[%swap3A_72] {strides = array<i32>} : memref<32768xi32, #tpu.memory_space<vmem>>, vector<16xi32>,
        %swap3A_74 = vector.shape_cast %swap3A_73 : vector<16xi32> to vector<16xi32>
        %swap3A_75 = vector.shape_cast %add3A_71 : vector<16xi32> to vector<16xi32>
        tpu.vector_store %arg8[%swap3A_72], %swap3A_75 {strides = array<i32>} : memref<32768xi32, #tpu.memory_space<vmem>>, vector<16xi32>,
        %mul3A_76 = arith.constant 128 : i32
        %mul3A_77 = arith.muli %scan3A_50, %mul3A_76 : i32
        %add3A_78 = arith.constant 32 : i32
        %add3A_79 = arith.addi %mul3A_77, %add3A_78 : i32
        %get3A_80 = arith.index_cast %add3A_79 : i32 to index
        %get3A_81 = tpu.vector_load %arg6[%get3A_80] {strides = array<i32>} : memref<32768xi32, #tpu.memory_space<vmem>>, vector<16xi32>,
        %get3A_82 = vector.shape_cast %get3A_81 : vector<16xi32> to vector<16xi32>
        %add3A_83 = vector.broadcast %mul3A_39 : i32 to vector<16xi32>
        %add3A_84 = arith.addi %get3A_82, %add3A_83 : vector<16xi32>
        %swap3A_85 = arith.index_cast %add3A_79 : i32 to index
        %swap3A_86 = tpu.vector_load %arg8[%swap3A_85] {strides = array<i32>} : memref<32768xi32, #tpu.memory_space<vmem>>, vector<16xi32>,
        %swap3A_87 = vector.shape_cast %swap3A_86 : vector<16xi32> to vector<16xi32>
        %swap3A_88 = vector.shape_cast %add3A_84 : vector<16xi32> to vector<16xi32>
        tpu.vector_store %arg8[%swap3A_85], %swap3A_88 {strides = array<i32>} : memref<32768xi32, #tpu.memory_space<vmem>>, vector<16xi32>,
        %mul3A_89 = arith.constant 128 : i32
        %mul3A_90 = arith.muli %scan3A_50, %mul3A_89 : i32
        %add3A_91 = arith.constant 48 : i32
        %add3A_92 = arith.addi %mul3A_90, %add3A_91 : i32
        %get3A_93 = arith.index_cast %add3A_92 : i32 to index
        %get3A_94 = tpu.vector_load %arg6[%get3A_93] {strides = array<i32>} : memref<32768xi32, #tpu.memory_space<vmem>>, vector<16xi32>,
        %get3A_95 = vector.shape_cast %get3A_94 : vector<16xi32> to vector<16xi32>
        %add3A_96 = vector.broadcast %mul3A_39 : i32 to vector<16xi32>
        %add3A_97 = arith.addi %get3A_95, %add3A_96 : vector<16xi32>
        %swap3A_98 = arith.index_cast %add3A_92 : i32 to index
        %swap3A_99 = tpu.vector_load %arg8[%swap3A_98] {strides = array<i32>} : memref<32768xi32, #tpu.memory_space<vmem>>, vector<16xi32>,
        %swap3A_100 = vector.shape_cast %swap3A_99 : vector<16xi32> to vector<16xi32>
        %swap3A_101 = vector.shape_cast %add3A_97 : vector<16xi32> to vector<16xi32>
        tpu.vector_store %arg8[%swap3A_98], %swap3A_101 {strides = array<i32>} : memref<32768xi32, #tpu.memory_space<vmem>>, vector<16xi32>,
        %mul3A_102 = arith.constant 128 : i32
        %mul3A_103 = arith.muli %scan3A_50, %mul3A_102 : i32
        %add3A_104 = arith.constant 64 : i32
        %add3A_105 = arith.addi %mul3A_103, %add3A_104 : i32
        %get3A_106 = arith.index_cast %add3A_105 : i32 to index
        %get3A_107 = tpu.vector_load %arg6[%get3A_106] {strides = array<i32>} : memref<32768xi32, #tpu.memory_space<vmem>>, vector<16xi32>,
        %get3A_108 = vector.shape_cast %get3A_107 : vector<16xi32> to vector<16xi32>
        %add3A_109 = vector.broadcast %mul3A_39 : i32 to vector<16xi32>
        %add3A_110 = arith.addi %get3A_108, %add3A_109 : vector<16xi32>
        %swap3A_111 = arith.index_cast %add3A_105 : i32 to index
        %swap3A_112 = tpu.vector_load %arg8[%swap3A_111] {strides = array<i32>} : memref<32768xi32, #tpu.memory_space<vmem>>, vector<16xi32>,
        %swap3A_113 = vector.shape_cast %swap3A_112 : vector<16xi32> to vector<16xi32>
        %swap3A_114 = vector.shape_cast %add3A_110 : vector<16xi32> to vector<16xi32>
        tpu.vector_store %arg8[%swap3A_111], %swap3A_114 {strides = array<i32>} : memref<32768xi32, #tpu.memory_space<vmem>>, vector<16xi32>,
        %mul3A_115 = arith.constant 128 : i32
        %mul3A_116 = arith.muli %scan3A_50, %mul3A_115 : i32
        %add3A_117 = arith.constant 80 : i32
        %add3A_118 = arith.addi %mul3A_116, %add3A_117 : i32
        %get3A_119 = arith.index_cast %add3A_118 : i32 to index
        %get3A_120 = tpu.vector_load %arg6[%get3A_119] {strides = array<i32>} : memref<32768xi32, #tpu.memory_space<vmem>>, vector<16xi32>,
        %get3A_121 = vector.shape_cast %get3A_120 : vector<16xi32> to vector<16xi32>
        %add3A_122 = vector.broadcast %mul3A_39 : i32 to vector<16xi32>
        %add3A_123 = arith.addi %get3A_121, %add3A_122 : vector<16xi32>
        %swap3A_124 = arith.index_cast %add3A_118 : i32 to index
        %swap3A_125 = tpu.vector_load %arg8[%swap3A_124] {strides = array<i32>} : memref<32768xi32, #tpu.memory_space<vmem>>, vector<16xi32>,
        %swap3A_126 = vector.shape_cast %swap3A_125 : vector<16xi32> to vector<16xi32>
        %swap3A_127 = vector.shape_cast %add3A_123 : vector<16xi32> to vector<16xi32>
        tpu.vector_store %arg8[%swap3A_124], %swap3A_127 {strides = array<i32>} : memref<32768xi32, #tpu.memory_space<vmem>>, vector<16xi32>,
        %mul3A_128 = arith.constant 128 : i32
        %mul3A_129 = arith.muli %scan3A_50, %mul3A_128 : i32
        %add3A_130 = arith.constant 96 : i32
        %add3A_131 = arith.addi %mul3A_129, %add3A_130 : i32
        %get3A_132 = arith.index_cast %add3A_131 : i32 to index
        %get3A_133 = tpu.vector_load %arg6[%get3A_132] {strides = array<i32>} : memref<32768xi32, #tpu.memory_space<vmem>>, vector<16xi32>,
        %get3A_134 = vector.shape_cast %get3A_133 : vector<16xi32> to vector<16xi32>
        %add3A_135 = vector.broadcast %mul3A_39 : i32 to vector<16xi32>
        %add3A_136 = arith.addi %get3A_134, %add3A_135 : vector<16xi32>
        %swap3A_137 = arith.index_cast %add3A_131 : i32 to index
        %swap3A_138 = tpu.vector_load %arg8[%swap3A_137] {strides = array<i32>} : memref<32768xi32, #tpu.memory_space<vmem>>, vector<16xi32>,
        %swap3A_139 = vector.shape_cast %swap3A_138 : vector<16xi32> to vector<16xi32>
        %swap3A_140 = vector.shape_cast %add3A_136 : vector<16xi32> to vector<16xi32>
        tpu.vector_store %arg8[%swap3A_137], %swap3A_140 {strides = array<i32>} : memref<32768xi32, #tpu.memory_space<vmem>>, vector<16xi32>,
        %mul3A_141 = arith.constant 128 : i32
        %mul3A_142 = arith.muli %scan3A_50, %mul3A_141 : i32
        %add3A_143 = arith.constant 112 : i32
        %add3A_144 = arith.addi %mul3A_142, %add3A_143 : i32
        %get3A_145 = arith.index_cast %add3A_144 : i32 to index
        %get3A_146 = tpu.vector_load %arg6[%get3A_145] {strides = array<i32>} : memref<32768xi32, #tpu.memory_space<vmem>>, vector<16xi32>,
        %get3A_147 = vector.shape_cast %get3A_146 : vector<16xi32> to vector<16xi32>
        %add3A_148 = vector.broadcast %mul3A_39 : i32 to vector<16xi32>
        %add3A_149 = arith.addi %get3A_147, %add3A_148 : vector<16xi32>
        %swap3A_150 = arith.index_cast %add3A_144 : i32 to index
        %swap3A_151 = tpu.vector_load %arg8[%swap3A_150] {strides = array<i32>} : memref<32768xi32, #tpu.memory_space<vmem>>, vector<16xi32>,
        %swap3A_152 = vector.shape_cast %swap3A_151 : vector<16xi32> to vector<16xi32>
        %swap3A_153 = vector.shape_cast %add3A_149 : vector<16xi32> to vector<16xi32>
        tpu.vector_store %arg8[%swap3A_150], %swap3A_153 {strides = array<i32>} : memref<32768xi32, #tpu.memory_space<vmem>>, vector<16xi32>,
        %scan3A_154 = arith.constant 0 : i32
        scf.yield %scan3A_154 : i32
      }
      %scan3A_46 = arith.constant 256 : i32
      %dma_start3A = arith.constant 0 : i32
      %dma_start3A_47 = tpu.memref_slice %arg4[%dma_start3A] : memref<50331648xf32, #tpu.memory_space<hbm>> -> memref<50331648xf32, #tpu.memory_space<hbm>>
      tpu.enqueue_indirect_dma source(%arg7 : memref<32768xf32, #tpu.memory_space<vmem>>) target(%dma_start3A_47 : memref<50331648xf32, #tpu.memory_space<hbm>>) offsets(%arg8 : memref<32768xi32, #tpu.memory_space<vmem>>) semaphore(%arg10 : memref<!tpu.dma_semaphore, #tpu.memory_space<semaphore_mem>>)
      %dma_wait3A = arith.constant 0 : i32
      %dma_wait3A_48 = tpu.memref_slice %arg4[%dma_wait3A] : memref<50331648xf32, #tpu.memory_space<hbm>> -> memref<50331648xf32, #tpu.memory_space<hbm>>
      tpu.wait_indirect_dma semaphore(%arg10 : memref<!tpu.dma_semaphore, #tpu.memory_space<semaphore_mem>>) src(%arg7 : memref<32768xf32, #tpu.memory_space<vmem>>) dst(%dma_wait3A_48 : memref<50331648xf32, #tpu.memory_space<hbm>>)
      %scan3A_49 = arith.constant 0 : i32
      scf.yield %scan3A_49 : i32
    }
    %scan3A_32 = arith.constant 6 : i32
    return
  }
}

</mosaic_0001>

<sc_bundles>
// kernel: kernel.3.cloned.1.call-start
scs
__scs_entry_jumppad:
0x0: {  	(pc) =	sbr.rel $0x88, $3  }
0x1: {  	(tag) =	ssettag $0x0;
	lr =	simm.s32 $0x1  }
0x2: {  	[smem:$0x3F9F] =	sst lr;
	_ =	strace $0xD0000000  }
0x3: {  	_ = 	snop  }
0x4: {  	_ = 	snop  }
0x5: {  	_ = 	snop  }
0x6: {  	_ = 	snop  }
0x7: {  	_ = 	snop  }
__scs_overlays_trampoline_lowered:
0x8: {  	[smem:$0x3FAE] =	sst s0  }
0x9: {  	[smem:$0x3FAF] =	sst s1  }
0xa: {  	[smem:$0x3FB0] =	sst s2  }
0xb: {  	[smem:$0x3FB1] =	sst s3  }
0xc: {  	[smem:$0x3FB2] =	sst s4  }
0xd: {  	[smem:$0x3FB3] =	sst s5  }
0xe: {  	[smem:$0x3FB4] =	sst s6  }
0xf: {  	[smem:$0x3FB5] =	sst s7  }
0x10: {  	[smem:$0x3FB6] =	sst s8  }
0x11: {  	[smem:$0x3FB7] =	sst s9;
	s0 =	simm.s32 @!p0 $0x0  }
0x12: {  	s1 =	sld [smem:$0x3F9D];
	s0 =	simm.s32 @p0 $0x1  }
0x13: {  	[smem:$0x3FB8] =	sst s0;
	s0 =	simm.s32 @!p1 $0x0  }
0x14: {  	s2 =	sld [smem:$0x3F9C];
	s0 =	simm.s32 @p1 $0x1  }
0x15: {  	[smem:$0x3FB9] =	sst s0;
	s0 =	simm.s32 @!p2 $0x0  }
0x16: {  	s3 =	sld [smem:$0x3FDB];
	s0 =	simm.s32 @p2 $0x1  }
0x17: {  	s4 =	simm.s32 $0x1BF5;
	[smem:$0x3FBB] =	sst s0  }
0x18: {  	s0 =	sld [smem:$0x3F9E];
	_ =	swait.ge [sflag:s4], $0x0  }
0x19: {  	s7 =	sld [smem:$0x3F9F]  }
0x1a: {  	s8 =	sadd.s32 $0xFFFFE003, lr  }
0x1b: {  	s9 =	sadd.s32 $0xFFFFFEF7, lr;
	s5 =	simm.s32 $0xFFFFFFFF;
	p2 =	slt.u32 s8, $0xFFFFF086  }
0x1c: {  	p1 =	slt.u32 s9, $0xF7A;
	s5 =	simm.s32 @!p2 $0x0  }
0x1d: {  	s5 =	simm.s32 @p1 $0x1;
	p0 =	seq.s32 s7, s2  }
0x1e: {  	s7 =	smul.u32 @!p0 $0xF7A, s2;
	p2 =	seq.s32 @!p0 s5, $0x0  }
0x1f: {  	s9 =	smul.u32 $0xF7A, s1;
	s8 =	simm.s32 @!p0 $0x1BF5;
	p2 =	por !p2, p0  }
0x20: {  	[sflag:s8] =	ssyncset.s32 @!p0 $0xFFFFF086;
	s6 =	sadd.s32 @!p0 s3, s7;
	s7 =	simm.s32 @!p0 $0x108  }
0x21: {  	s3 =	sadd.s32 s3, s9;
	s6 =	sadd.s32 @!p0 $0x88, s6;
	s7 =	simm.s32 @p2 $0x1082  }
0x22: {  	[simem:s7], [sflag:s8] =	dma.local @!p0 [hbm:s6], $0xF7A  }
0x23: {  	s9 =	sor.u32 $0xD0000000, s2;
	s6 =	simm.s32 $0x108;
	_ =	swait.ge @!p0 [sflag:s8], $0x0  }
0x24: {  	s3 =	sadd.s32 $0x88, s3;
	s6 =	simm.s32 @!p1 $0x1082;
	[sflag:s4] =	ssyncset.s32 $0xFFFFF086  }
0x25: {  	[simem:s6], [sflag:s4] =	dma.local [hbm:s3], $0xF7A  }
0x26: {  	[smem:$0x3F9F] =	sst s1;
	(tag) =	ssettag s2;
	_ =	strace s9  }
0x27: {  	s1 =	sld [smem:$0x3FAF]  }
0x28: {  	s2 =	sld [smem:$0x3FB0]  }
0x29: {  	s4 =	sld [smem:$0x3FB2]  }
0x2a: {  	p0 =	seq.s32 s5, $0x0;
	s5 =	sld [smem:$0x3FB3]  }
0x2b: {  	s6 =	sld [smem:$0x3FB4]  }
0x2c: {  	s7 =	sld [smem:$0x3FB5]  }
0x2d: {  	s3 =	simm.s32 $0x108;
	s8 =	sld [smem:$0x3FB6]  }
0x2e: {  	s3 =	simm.s32 @!p0 $0x1082;
	s9 =	sld [smem:$0x3FB7]  }
0x2f: {  	lr =	sadd.s32 s0, s3;
	s0 =	sld [smem:$0x3FAE]  }
0x30: {  	s3 =	sld [smem:$0x3FB1]  }
0x31: {  	[smem:$0x3FBA] =	sst s10  }
0x32: {  	s10 =	sld [smem:$0x3FB8];
	_ =	sdelay $0x3  }
0x33: {  	p0 =	seq.s32 s10, $0x1;
	s10 =	sld [smem:$0x3FBA];
	_ =	sdelay $0x3  }
0x34: {  	[smem:$0x3FBA] =	sst s10  }
0x35: {  	s10 =	sld [smem:$0x3FB9];
	_ =	sdelay $0x3  }
0x36: {  	p1 =	seq.s32 s10, $0x1;
	s10 =	sld [smem:$0x3FBA];
	_ =	sdelay $0x3  }
0x37: {  	[smem:$0x3FBA] =	sst s10  }
0x38: {  	s10 =	sld [smem:$0x3FBB]  }
0x39: {  	_ = 	snop;
	(pc) =	sbr.ind lr, $3  }
0x3a: {  	_ = 	snop  }
0x3b: {  	_ = 	snop  }
0x3c: {  	p2 =	seq.s32 s10, $0x1;
	s10 =	sld [smem:$0x3FBA]  }
0x3d: {  	_ =	shalt  }
0x3e: {  	_ =	shalt  }
0x3f: {  	_ =	shalt  }
0x40: {  	_ =	shalt  }
0x41: {  	_ =	shalt  }
0x42: {  	_ =	shalt  }
0x43: {  	_ =	shalt  }
0x44: {  	_ =	shalt  }
0x45: {  	_ =	shalt  }
0x46: {  	_ =	shalt  }
0x47: {  	_ =	shalt  }
0x48: {  	_ =	shalt  }
0x49: {  	_ =	shalt  }
0x4a: {  	_ =	shalt  }
0x4b: {  	_ =	shalt  }
0x4c: {  	_ =	shalt  }
0x4d: {  	_ =	shalt  }
0x4e: {  	_ =	shalt  }
0x4f: {  	_ =	shalt  }
0x50: {  	_ =	shalt  }
0x51: {  	_ =	shalt  }
0x52: {  	_ =	shalt  }
0x53: {  	_ =	shalt  }
0x54: {  	_ =	shalt  }
0x55: {  	_ =	shalt  }
0x56: {  	_ =	shalt  }
0x57: {  	_ =	shalt  }
0x58: {  	_ =	shalt  }
0x59: {  	_ =	shalt  }
0x5a: {  	_ =	shalt  }
0x5b: {  	_ =	shalt  }
0x5c: {  	_ =	shalt  }
0x5d: {  	_ =	shalt  }
0x5e: {  	_ =	shalt  }
0x5f: {  	_ =	shalt  }
0x60: {  	_ =	shalt  }
0x61: {  	_ =	shalt  }
0x62: {  	_ =	shalt  }
0x63: {  	_ =	shalt  }
0x64: {  	_ =	shalt  }
0x65: {  	_ =	shalt  }
0x66: {  	_ =	shalt  }
0x67: {  	_ =	shalt  }
0x68: {  	_ =	shalt  }
0x69: {  	_ =	shalt  }
0x6a: {  	_ =	shalt  }
0x6b: {  	_ =	shalt  }
0x6c: {  	_ =	shalt  }
0x6d: {  	_ =	shalt  }
0x6e: {  	_ =	shalt  }
0x6f: {  	_ =	shalt  }
0x70: {  	_ =	shalt  }
0x71: {  	_ =	shalt  }
0x72: {  	_ =	shalt  }
0x73: {  	_ =	shalt  }
0x74: {  	_ =	shalt  }
0x75: {  	_ =	shalt  }
0x76: {  	_ =	shalt  }
0x77: {  	_ =	shalt  }
0x78: {  	_ =	shalt  }
0x79: {  	_ =	shalt  }
0x7a: {  	_ =	shalt  }
0x7b: {  	_ =	shalt  }
0x7c: {  	_ =	shalt  }
0x7d: {  	_ =	shalt  }
0x7e: {  	_ =	shalt  }
0x7f: {  	_ =	shalt  }
0x80: {  	_ =	shalt  }
0x81: {  	_ =	shalt  }
0x82: {  	_ =	shalt  }
0x83: {  	_ =	shalt  }
0x84: {  	_ =	shalt  }
0x85: {  	_ =	shalt  }
0x86: {  	_ =	shalt  }
0x87: {  	_ =	shalt  }
.Lfunc_end0:
.L_simem_size_0:
called_computation_lowered:
.L_overlay_start_0:
0x88: {  	s2 =	sld [smem:$0x3FD9]  }
0x89: {  	s3 =	sld [smem:$0x3FFE];
	_ =	sdelay $0x1  }
0x8a: {  	s1 =	srdreg.scid  }
0x8b: {  	s0 =	sand.u32 $0x1, s1  }
0x8c: {  	s17 =	sshll.u32 s0, $0xA;
	s2 =	sadd.s32 s3, s2  }
0x8d: {  	s2 =	sadd.s32 s2, s17  }
0x8e: {  	[smem:$0x3FC6] =	sst s2  }
0x8f: {  	_ = 	snop  }
0x90: {  	s2 =	sld [smem:$0x3FD0];
	(tm) =	ssettm $0x1  }
0x91: {  	s18 =	sld [smem:$0x3FFB];
	_ =	sdelay $0x3  }
0x92: {  	_ =	strace s18  }
0x93: {  	s3 =	sld [smem:$0x3FFC];
	_ =	sdelay $0x3  }
0x94: {  	_ =	strace s3  }
0x95: {  	s3 =	sld [smem:$0x3FFD];
	_ =	sdelay $0x3  }
0x96: {  	_ =	strace s3  }
0x97: {  	_ =	strace $0x8FFFFFFF  }
0x98: {  	s19 =	sld [smem:$0x3FDB];
	_ =	sdelay $0x1  }
0x99: {  	s4 =	simm.s32 $_scs_section_size  }
0x9a: {  	s5 =	simm.s32 $_size__tile_overlayer_lowered;
	s6 =	simm.s32 $_tile_overlayer_lowered  }
0x9b: {  	s22 =	simm.s32 $0x1BFF;
	s21 =	sshll.u32 s6, $0x1;
	s3 =	sadd.s32 s4, s19  }
0x9c: {  	s7 =	simm.s32 $0x0;
	s20 =	sshll.u32 s5, $0x1;
	s5 =	sadd.s32 s21, s3  }
0x9d: {  	[timem:s7], [sflag:s22] =	dma.local [hbm:s5], s20  }
0x9e: {  	_ =	swait.ge [sflag:s22], s20  }
0x9f: {  	s4 =	ssub.s32 $0x0, s20;
	[sflag:s22] =	ssyncset.done $0x0  }
0xa0: {  	[sflag:s22] =	ssyncadd.s32 s4;
	_ =	sdelay $0x1  }
0xa1: {  	s23 =	simm.s32 $0x1B8B  }
0xa2: {  	_ =	swait.ge [sflag:s23], $0x1  }
0xa3: {  	[sflag:s23] =	ssyncset.done $0x0  }
0xa4: {  	s25 =	simm.s32 $0x1B8E;
	s24 =	sld [smem:$0x3FFE];
	[sflag:s23] =	ssyncadd.s32 $0xFFFFFFFF  }
0xa5: {  	s26 =	simm.s32 $execute0_lowered;
	[smem:$0x3FD2] =	sst s25  }
0xa6: {  	s5 =	sshll.u32 s26, $0x1;
	_ =	strace $0x80000046;
	[dreg:$0x1] =	wrdreg $0xFFFFFFFF  }
0xa7: {  	s28 =	simm.s32 $_size_execute0_lowered;
	s3 =	sadd.s32 s3, s5;
	[dreg:$0x0] =	wrdreg $0x0  }
0xa8: {  	s5 =	sshll.u32 s28, $0x1;
	[dreg:$0x2] =	wrdreg s3  }
0xa9: {  	[dreg:$0x3] =	wrdreg s5  }
0xaa: {  	[dreg:$0x4] =	wrdreg $0xC0  }
0xab: {  	_ =	task [dreg:s7], $0x5FFFF  }
0xac: {  	[dreg:$0x1] =	wrdreg $0xFFFFFFFF  }
0xad: {  	[dreg:$0x0] =	wrdreg $0x60  }
0xae: {  	[dreg:$0x2] =	wrdreg s24  }
0xaf: {  	[dreg:$0x3] =	wrdreg s2  }
0xb0: {  	[dreg:$0x4] =	wrdreg $0x9  }
0xb1: {  	_ =	task.clear_ibuf [dreg:s7], $0x5FFFF;
	_ =	strace $0x90000046  }
0xb2: {  	s29 =	simm.s32 $0x9;
	_ =	strace $0x80000048  }
0xb3: {  	_ =	swait.ge [sflag:s29], $0x1  }
0xb4: {  	[sflag:s29] =	ssyncadd.s32 $0xFFFFFFFF  }
0xb5: {  	_ =	strace $0x90000048  }
0xb6: {  	_ =	sfence  }
0xb7: {  	s30 =	sld [smem:$0x0];
	_ =	sdelay $0x2  }
0xb8: {  	s31 =	sshll.u32 s1, $0xD;
	s1 =	sshrl.u32 s1, $0x2  }
0xb9: {  	s3 =	sand.u32 $0x4000, s31;
	s1 =	sadd.s32 s1, s30  }
0xba: {  	s0 =	sor.u32 s3, s0;
	s1 =	sshll.u32 s1, $0x11  }
0xbb: {  	s0 =	sor.u32 s1, s0  }
0xbc: {  	s0 =	sadd.s32 $0x8F2B, s0  }
0xbd: {  	[sflag:s0] =	ssyncadd.remote.s32 $0x1  }
0xbe: {  	_ =	sfence.sel $0xFFFF  }
0xbf: {  	[dreg:$0x0] =	wrdreg $0xFFFFFFFF;
	(pc) =	sbr.abs _section_cstart, $3  }
0xc0: {  	[dreg:$0x1] =	wrdreg $0xFFFFFFFF  }
0xc1: {  	_ =	task.clear_ibuf [dreg:s7], $0x2FFFF;
	_ =	strace $0x9FFFFFFF  }
0xc2: {  	(tm) =	ssettm $0x7FFFFFFF  }
0xc3: {  	_ =	shalt  }
tec
execute0_lowered:
.L_overlay_start_1:
0x0: {  	(tag) =	ssettag $0x1  }
0x1: {  	s5 =	rddreg [dreg:$0x0]  }
0x2: {  	s2 =	rddreg [dreg:$0x1]  }
0x3: {  	s0 =	rddreg [dreg:$0x2]  }
0x4: {  	s3 =	simm.s32 $0x0;
	s4 =	srdreg.scid;
	s1 =	stileid.u32  }
0x5: {  	s12 =	simm.s32 $0x4000;
	s13 =	simm.s32 $0x3;
	s14 =	simm.s32 $0xC000  }
0x6: {  	s15 =	simm.s32 $0x8000;
	s16 =	simm.s32 $0x14000;
	s17 =	simm.s32 $0x2  }
0x7: {  	s18 =	simm.s32 $0x0;
	[smem:$0x7FF] =	sst s3;
	s6 =	sand.u32 $0x1, s4  }
0x8: {  	s7 =	smul.u32 $0x300000, s1;
	s4 =	sadd.s32 $0x400, s5;
	s5 =	sadd.s32 $0xC0400, s5  }
0x9: {  	s10 =	sshll.u32 s1, $0x1;
	_ =	strace $0x80000047;
	s8 =	smul.u32 $0x180000, s6  }
0xa: {  	s9 =	ssub.s32 $0x2, s6;
	s6 =	sor.u32 s6, s10;
	s10 =	simm.s32 $0x80  }
0xb: {  	s11 =	sshrl.u32 s9, $0x1;
	s6 =	smul.u32 $0x6, s6;
	s7 =	sadd.s32 s8, s7  }
0xc: {  	s30 =	ssub.s32 s9, s11;
	s9 =	simm.s32 $0x1;
	s31 =	sshrl.u32 s7, $0x3  }
0xd: {  	v0 =	vimm.f32 $0.0e+00;
	s11 =	simm.s32 $0x400;
	s7 =	smax.u32 s30, $0x1;
	s8 =	sadd.s32 s31, s2  }
.LBB2_1:
0xe: {  	s19 =	simm.s32 $0x0  }
.LBB2_2:
0xf: {  	p0 =	sne.s32 s19, $0xFFC0  }
.Ltmp0:
0x10: {  	_ = 	snop;
	(pc) =	sbr.rel @p0 .LBB2_2-.Ltmp0, $3  }
0x11: {  	_ =	sdelay $0x1  }
0x12: {  	s20 =	sshra.s32 s19, $0x2  }
0x13: {  	s19 =	sadd.s32 $0x40, s19;
	[tilespmem:s20+$0x0] =	vst v0  }
0x14: {  	s19 =	simm.s32 $0x0  }
.LBB2_4:
0x15: {  	p0 =	seq.s32 s19, $0x2F800  }
.Ltmp1:
0x16: {  	_ = 	snop;
	(pc) =	sbr.rel @!p0 .LBB2_4-.Ltmp1, $3  }
0x17: {  	_ =	sdelay $0x1  }
0x18: {  	s20 =	sadd.s32 s19, s8;
	s19 =	sadd.s32 $0x800, s19  }
0x19: {  	[hbm4b:s20+s3] =	stream.linear.scatter [tilespmem:s3], [sflag:$0x1], $0x4000, $0x38;
	[tilespmem:$0x1C000] =	vst v63  }
0x1a: {  	_ =	swait.ge [sflag:s9], $0x4000  }
0x1b: {  	s19 =	simm.s32 $0x5F;
	[sflag:s9] =	ssyncset.done $0x0  }
.LBB2_6:
0x1c: {  	p0 =	seq.s32 s19, $0x1;
	s19 =	sadd.s32 $0xFFFFFFFF, s19;
	[sflag:s9] =	ssyncadd.s32 $0xFFFFC000  }
.Ltmp2:
0x1d: {  	(pc) =	sbr.rel @!p0 .LBB2_6-.Ltmp2, $3  }
0x1e: {  	_ =	sdelay $0x1  }
0x1f: {  	_ =	swait.ge [sflag:s9], $0x4000  }
0x20: {  	[sflag:s9] =	ssyncset.done $0x0  }
0x21: {  	[sflag:s9] =	ssyncadd.s32 $0xFFFFC000;
	s19 =	simm.s32 $0x0  }
.LBB2_8:
0x22: {  	s21 =	sadd.s32 s6, s19  }
0x23: {  	s20 =	sshll.u32 s21, $0xC;
	s22 =	sshll.u32 s21, $0x4  }
0x24: {  	s20 =	sand.u32 $0xFFF8000, s20;
	s22 =	sand.u32 $0x70, s22  }
0x25: {  	s20 =	sor.u32 s22, s20  }
0x26: {  	s22 =	sadd.s32 s5, s20  }
0x27: {  	[tilespmem:s12], [sflag:$0x3] =	stream.strided.gather [hbm4b:s22+s10], $0x8000, s11, s10, $0x38;
	[tilespmem:$0x1C000] =	vst v63  }
0x28: {  	_ =	swait.ge [sflag:s13], $0x8000  }
0x29: {  	[sflag:s13] =	ssyncset.done $0x0  }
0x2a: {  	s20 =	sadd.s32 s4, s20;
	[sflag:s13] =	ssyncadd.s32 $0xFFFF8000  }
0x2b: {  	[tilespmem:s14], [sflag:$0x3] =	stream.strided.gather [hbm4b:s20+s10], $0x8000, s11, s10, $0x38;
	[tilespmem:$0x1C000] =	vst v63  }
0x2c: {  	_ =	swait.ge [sflag:s13], $0x8000  }
0x2d: {  	[sflag:s13] =	ssyncset.done $0x0  }
0x2e: {  	s20 =	simm.s32 $0x0;
	[sflag:s13] =	ssyncadd.s32 $0xFFFF8000  }
0x2f: {  	v4 =	vld [tilespmem:s20+$0x4070]  }
0x30: {  	v6 =	vld [tilespmem:s20+$0x4000]  }
0x31: {  	v7 =	vld [tilespmem:s20+$0x4010]  }
0x32: {  	s21 =	sshll.u32 s21, $0x12;
	v5 =	vld [tilespmem:s20+$0x4020]  }
0x33: {  	v1 =	vmov s21;
	v3 =	vld [tilespmem:s20+$0x4030]  }
0x34: {  	v2 =	vld [tilespmem:s20+$0x4040];
	v8 =	vadd.s32 v1, v4  }
0x35: {  	v4 =	vld [tilespmem:s20+$0x4050];
	v6 =	vadd.s32 v1, v6;
	[tilespmem:s20+$0x14070] =	vst v8  }
0x36: {  	s21 =	simm.s32 $0x80;
	s22 =	simm.s32 $0x400;
	v7 =	vadd.s32 v1, v7;
	[tilespmem:s20+$0x14000] =	vst v6;
	v6 =	vld [tilespmem:s20+$0x4060]  }
.LBB2_9:
0x37: {  	p0 =	sne.s32 s22, $0x1FE00;
	v8 =	vld [tilespmem:s21+$0x4070];
	[tilespmem:s20+$0x14010] =	vst v7;
	v5 =	vadd.s32 v1, v5  }
0x38: {  	v7 =	vld [tilespmem:s21+$0x4000];
	[tilespmem:s20+$0x14020] =	vst v5;
	v3 =	vadd.s32 v1, v3  }
0x39: {  	v9 =	vld [tilespmem:s21+$0x4010];
	[tilespmem:s20+$0x14030] =	vst v3;
	v2 =	vadd.s32 v1, v2  }
.Ltmp3:
0x3a: {  	v5 =	vld [tilespmem:s21+$0x4020];
	[tilespmem:s20+$0x14040] =	vst v2;
	v2 =	vadd.s32 v1, v4;
	(pc) =	sbr.rel @p0 .LBB2_9-.Ltmp3, $4  }
0x3b: {  	v3 =	vld [tilespmem:s21+$0x4030];
	[tilespmem:s20+$0x14050] =	vst v2;
	v4 =	vadd.s32 v1, v6  }
0x3c: {  	v2 =	vld [tilespmem:s21+$0x4040];
	v6 =	vadd.s32 v1, v8;
	[tilespmem:s20+$0x14060] =	vst v4;
	s20 =	smov.u32 s21  }
0x3d: {  	v7 =	vadd.s32 v1, v7;
	v4 =	vld [tilespmem:s20+$0x4050];
	[tilespmem:s20+$0x14070] =	vst v6  }
0x3e: {  	s21 =	sshra.s32 s22, $0x2;
	s22 =	sadd.s32 $0x200, s22;
	[tilespmem:s20+$0x14000] =	vst v7;
	v7 =	vadd.s32 v1, v9;
	v6 =	vld [tilespmem:s20+$0x4060]  }
0x3f: {  	v8 =	vld [tilespmem:s21+$0x4070];
	[tilespmem:s20+$0x14010] =	vst v7;
	v5 =	vadd.s32 v1, v5  }
0x40: {  	v7 =	vld [tilespmem:s21+$0x4000];
	[tilespmem:s20+$0x14020] =	vst v5;
	v3 =	vadd.s32 v1, v3  }
0x41: {  	v5 =	vld [tilespmem:s21+$0x4010];
	[tilespmem:s20+$0x14030] =	vst v3;
	v2 =	vadd.s32 v1, v2  }
0x42: {  	v3 =	vld [tilespmem:s21+$0x4020];
	[tilespmem:s20+$0x14040] =	vst v2;
	v2 =	vadd.s32 v1, v4  }
0x43: {  	v60 =	vld [tilespmem:s21+$0x4030];
	[tilespmem:s20+$0x14050] =	vst v2;
	v2 =	vadd.s32 v1, v6  }
0x44: {  	v61 =	vld [tilespmem:s21+$0x4040];
	[tilespmem:s20+$0x14060] =	vst v2;
	v2 =	vadd.s32 v1, v8  }
0x45: {  	v62 =	vld [tilespmem:s21+$0x4050];
	v7 =	vadd.s32 v1, v7;
	[tilespmem:s21+$0x14070] =	vst v2  }
0x46: {  	v63 =	vld [tilespmem:s21+$0x4060];
	[tilespmem:s21+$0x14000] =	vst v7;
	v2 =	vadd.s32 v1, v5  }
0x47: {  	[tilespmem:s21+$0x14010] =	vst v2;
	v2 =	vadd.s32 v1, v3  }
0x48: {  	[tilespmem:s21+$0x14020] =	vst v2;
	v2 =	vadd.s32 v1, v60  }
0x49: {  	[tilespmem:s21+$0x14030] =	vst v2;
	v2 =	vadd.s32 v1, v61  }
0x4a: {  	s19 =	sadd.s32 $0x1, s19;
	[tilespmem:s21+$0x14040] =	vst v2;
	v2 =	vadd.s32 v1, v62  }
0x4b: {  	p0 =	sne.s32 s19, $0x6;
	v1 =	vadd.s32 v1, v63;
	[tilespmem:s21+$0x14050] =	vst v2  }
.Ltmp4:
0x4c: {  	[tilespmem:s21+$0x14060] =	vst v1;
	(pc) =	sbr.rel @p0 .LBB2_8-.Ltmp4, $4  }
0x4d: {  	[hbm4b:s2+s15] =	stream.indirect.scatter [tilespmem:s14], [sflag:$0x2], $0x1, s16, s15, $0xb8;
	[tilespmem:$0x1C000] =	vst v63  }
0x4e: {  	_ =	swait.ge [sflag:s17], $0x8000  }
0x4f: {  	[sflag:s17] =	ssyncset.done $0x0  }
0x50: {  	[sflag:s17] =	ssyncadd.s32 $0xFFFF8000  }
0x51: {  	s18 =	sadd.s32 $0x1, s18  }
0x52: {  	p0 =	sne.s32 s18, s7  }
.Ltmp5:
0x53: {  	_ = 	snop;
	(pc) =	sbr.rel @p0 .LBB2_1-.Ltmp5, $1  }
0x54: {  	_ =	sdelay $0x3  }
0x55: {  	_ =	sfence.sel $0x180000  }
0x56: {  	[bflag:$0x0] =	sbarrier.arrive $0xFFFF  }
0x57: {  	p0 =	sne.s32 s1, $0x0;
	_ =	strace $0x90000047  }
0x58: {  	s0 =	sadd.s32 @!p0 $0x100000, s0;
	[bflag:$0x2] =	sbarrier.arrive $0xFFFF  }
0x59: {  	[sflag:s0] =	ssyncadd.tile.s32 @!p0 $0x1;
	_ =	shalt  }
.Lfunc_end2:
_tile_overlayer_lowered:
.L_overlay_start_2:
0x5a: {  	(tag) =	ssettag $0x2  }
0x5b: {  	s0 =	rddreg [dreg:$0x0];
	s2 =	stileid.u32  }
0x5c: {  	s1 =	rddreg [dreg:$0x1];
	p0 =	sne.s32 s2, $0x0  }
0x5d: {  	s3 =	rddreg [dreg:$0x2];
	[bflag:$0x3] =	sbarrier.arrive $0xFFFF;
	s2 =	simm.s32 @!p0 $0x1C03  }
0x5e: {  	[timem:s3], [sflag:s2] =	dma.local @!p0 [hbm:s0], s1  }
0x5f: {  	s0 =	simm.s32 @!p0 $0x3  }
0x60: {  	_ =	swait.ge @!p0 [sflag:s0], s1  }
0x61: {  	s1 =	ssub.s32 @!p0 $0x0, s1;
	[sflag:s0] =	ssyncset.done @!p0 $0x0  }
0x62: {  	[sflag:s0] =	ssyncadd.s32 @!p0 s1  }
0x63: {  	[bflag:$0x3] =	sbarrier.arrive $0xFFFF  }
0x64: {  	_ =	shalt  }

</sc_bundles>
